<compile_context>
chip_gen: v7x
topology: tpu7x:2x2x1
jax: 0.10.2.dev20260603
libtpu: 0.0.44.dev20260713+nightly
codegen_flags: <defaults>
</compile_context>

<pallas_src>
import jax
import jax.numpy as jnp
from jax.experimental import pallas as pl

_R = (0, 46, 167, 100, 191, 220, 0, 10)
_G = (160, 141, 0, 62, 30, 87, 166, 91)
_B = (177, 239, 174, 191, 75, 46, 0, 196)
_PACKED_LUT = tuple(r | (g << 8) | (b << 16) for r, g, b in zip(_R, _G, _B))

_TILE = 2048


def _lsh_kernel(rot_ref, x_ref, perm_ref, r_ref, g_ref, b_ref):
    t = x_ref.shape[1]
    tg = t // 8
    v = jax.lax.dot_general(
        rot_ref[...], x_ref[...],
        dimension_numbers=(((1,), (0,)), ((), ())),
        preferred_element_type=jnp.float32,
    )
    best = v[0:16, :]
    code = jnp.zeros(best.shape, dtype=jnp.float32)
    for k in range(1, 8):
        s = v[16 * k:16 * (k + 1), :]
        gt = s > best
        code = jnp.where(gt, jnp.float32(k), code)
        best = jnp.maximum(best, s)
    codep = jax.lax.dot_general(
        code.astype(jnp.bfloat16), perm_ref[...],
        dimension_numbers=(((1,), (0,)), ((), ())),
        preferred_element_type=jnp.float32,
    )
    stacked = jnp.concatenate(
        [codep[:, p * tg:(p + 1) * tg] for p in range(8)], axis=0
    )
    ci = stacked.T.astype(jnp.int32)
    packed = jnp.full(ci.shape, _PACKED_LUT[0], dtype=jnp.int32)
    for k in range(1, 8):
        packed = jnp.where(ci == k, _PACKED_LUT[k], packed)
    r_ref[...] = (packed & 0xFF).astype(jnp.uint8)
    g_ref[...] = ((packed >> 8) & 0xFF).astype(jnp.uint8)
    b_ref[...] = ((packed >> 16) & 0xFF).astype(jnp.uint8)


def kernel(inp, rotations):
    B, C, H, W = inp.shape
    HW = H * W
    n_hashes = rotations.shape[1]
    x = inp.reshape(C, HW)
    rot = jnp.transpose(rotations, (0, 2, 1)).reshape(C, 4 * n_hashes)
    rot_packed = jnp.concatenate([rot, -rot], axis=1).T

    tg = _TILE // 8
    j = jnp.arange(_TILE, dtype=jnp.int32)
    c_of_j = 8 * (j % tg) + j // tg
    perm = (jnp.arange(_TILE, dtype=jnp.int32)[:, None] == c_of_j[None, :]
            ).astype(jnp.bfloat16)

    out_sds = jax.ShapeDtypeStruct((HW // 8, 128), jnp.uint8)
    r, g, b = pl.pallas_call(
        _lsh_kernel,
        grid=(HW // _TILE,),
        in_specs=[
            pl.BlockSpec((128, C), lambda i: (0, 0)),
            pl.BlockSpec((C, _TILE), lambda i: (0, i)),
            pl.BlockSpec((_TILE, _TILE), lambda i: (0, 0)),
        ],
        out_specs=[pl.BlockSpec((_TILE // 8, 128), lambda i: (i, 0))] * 3,
        out_shape=[out_sds, out_sds, out_sds],
    )(rot_packed, x, perm)
    shape = (B, H, W, n_hashes)
    return (r.reshape(shape), g.reshape(shape), b.reshape(shape))

# --- scband reference (transcript-rebuilt; emitter-appended) ---
"""Pipeline reference for scband-cluster-20864951124022 (READ-ONLY COPY).

The authoritative reference and input builder live on the scoring server;
editing this copy changes nothing except your own understanding.
"""

import jax, jax.numpy as jnp
import numpy as np

WS = 32
N_HASHES = 16
HASH_BUCKETS = 8

R_LUT = jnp.array([0, 46, 167, 100, 191, 220, 0, 10], dtype=jnp.uint8)
G_LUT = jnp.array([160, 141, 0, 62, 30, 87, 166, 91], dtype=jnp.uint8)
B_LUT = jnp.array([177, 239, 174, 191, 75, 46, 0, 196], dtype=jnp.uint8)


def window_partition(x, window_size):
    B, H, W, C = x.shape
    x = x.reshape(B, H // window_size, window_size, W // window_size, window_size, C)
    windows = jnp.transpose(x, (0, 1, 3, 2, 4, 5)).reshape(-1, window_size, window_size, C)
    return windows


def window_reverse(windows, window_size, H, W):
    B = int(windows.shape[0] / (H * W / window_size / window_size))
    x = windows.reshape(B, H // window_size, W // window_size, window_size, window_size, -1)
    x = jnp.transpose(x, (0, 1, 3, 2, 4, 5)).reshape(B, H, W, -1)
    return x


def setup_inputs(seed: int = 0) -> dict:
    key = jax.random.key(seed)
    k1, k2 = jax.random.split(key)
    inp = jax.random.normal(k1, (1, 384, 384, 384), dtype=jnp.float32)
    # random LSH rotations (generated inside torch forward; materialized here for determinism)
    rotations = jax.random.normal(k2, (384, N_HASHES, HASH_BUCKETS // 2), dtype=jnp.float32)
    return {"inp": inp, "rotations": rotations}


def reference(inp, rotations):
    B, C, H, W = inp.shape
    x = jnp.transpose(inp, (0, 2, 3, 1))  # (B, H, W, C)
    feat_window = window_partition(x, WS)  # (N, ws, ws, C)
    N = feat_window.shape[0]
    x_embed = feat_window.reshape(N, WS * WS, C)
    # LSH: einsum('btf,bfhi->bhti') with rotations broadcast over windows
    rotated_vecs = jnp.einsum('btf,fhi->bhti', x_embed, rotations)
    rotated_vecs = jnp.concatenate([rotated_vecs, -rotated_vecs], axis=-1)  # (N, h, t, buckets)
    hash_codes = jnp.argmax(rotated_vecs, axis=-1)  # (N, h, t) in [0, 8)
    hash_window = hash_codes.reshape(N, -1, WS, WS)
    hash_window = jnp.transpose(hash_window, (0, 2, 3, 1))  # (N, ws, ws, n_hashes)
    hash_feature = window_reverse(hash_window, WS, H, W)  # (B, H, W, n_hashes)
    hash_image_R = R_LUT[hash_feature]
    hash_image_G = G_LUT[hash_feature]
    hash_image_B = B_LUT[hash_feature]
    return (hash_image_R, hash_image_G, hash_image_B)

if __name__ == "__main__":
    import jax
    _d = setup_inputs()
    print(jax.jit(kernel)(*tuple(_d.values())))

</pallas_src>

<mosaic_0001>
module attributes {stable_mosaic.version = 14 : i64} {
  func.func @_lsh_kernel(%arg0: i32, %arg1: memref<128x384xf32, #tpu.memory_space<vmem>>, %arg2: memref<384x2048xf32, #tpu.memory_space<vmem>>, %arg3: memref<2048x2048xbf16, #tpu.memory_space<vmem>>, %arg4: memref<256x128xi8, #tpu.memory_space<vmem>>, %arg5: memref<256x128xi8, #tpu.memory_space<vmem>>, %arg6: memref<256x128xi8, #tpu.memory_space<vmem>>) attributes {dimension_semantics = [#tpu.dimension_semantics<arbitrary>], iteration_bounds = array<i64: 72>, scalar_prefetch = 0 : i64, scratch_operands = 0 : i64, tpu.core_type = #tpu.core_type<tc>, window_params = [{pipeline_mode = #tpu.pipeline_mode<synchronous>, transform_indices = @transform_0, window_bounds = array<i64: 128, 384>}, {transform_indices = @transform_1, window_bounds = array<i64: 384, 2048>}, {pipeline_mode = #tpu.pipeline_mode<synchronous>, transform_indices = @transform_2, window_bounds = array<i64: 2048, 2048>}, {transform_indices = @transform_3, window_bounds = array<i64: 256, 128>}, {transform_indices = @transform_4, window_bounds = array<i64: 256, 128>}, {transform_indices = @transform_5, window_bounds = array<i64: 256, 128>}]} {
    %get3A = arith.constant 0 : index
    %get3A_0 = arith.constant 0 : index
    %get3A_1 = vector.load %arg1[%get3A, %get3A_0] : memref<128x384xf32, #tpu.memory_space<vmem>>, vector<128x384xf32>
    %get3A_2 = arith.constant 0 : index
    %get3A_3 = arith.constant 0 : index
    %get3A_4 = vector.load %arg2[%get3A_2, %get3A_3] : memref<384x2048xf32, #tpu.memory_space<vmem>>, vector<384x2048xf32>
    %dot_general3A = arith.constant dense<0.000000e+00> : vector<128x2048xf32>
    %dot_general3A_5 = tpu.matmul %get3A_1, %get3A_4, %dot_general3A {dimension_numbers = #tpu.dot_dimension_numbers<[1], [0], [0], [1], [0, 0, 1, 1], [], []>, transpose_lhs_hint = false} : vector<128x384xf32>, vector<384x2048xf32>, vector<128x2048xf32> -> vector<128x2048xf32>
    %slice3A = vector.extract_strided_slice %dot_general3A_5 {offsets = [0, 0], sizes = [16, 2048], strides = [1, 1]} : vector<128x2048xf32> to vector<16x2048xf32>
    %broadcast_in_dim3A = arith.constant 0.000000e+00 : f32
    %broadcast_in_dim3A_6 = vector.broadcast %broadcast_in_dim3A : f32 to vector<16x2048xf32>
    %slice3A_7 = vector.extract_strided_slice %dot_general3A_5 {offsets = [16, 0], sizes = [16, 2048], strides = [1, 1]} : vector<128x2048xf32> to vector<16x2048xf32>
    %gt3A = arith.cmpf ogt, %slice3A_7, %slice3A : vector<16x2048xf32>
    %jit3A = arith.constant 1.000000e+00 : f32
    %broadcast_in_dim3A_8 = vector.broadcast %jit3A : f32 to vector<16x2048xf32>
    %select_n3A = arith.select %gt3A, %broadcast_in_dim3A_8, %broadcast_in_dim3A_6 : vector<16x2048xi1>, vector<16x2048xf32>
    %max3A = arith.maximumf %slice3A, %slice3A_7 : vector<16x2048xf32>
    %slice3A_9 = vector.extract_strided_slice %dot_general3A_5 {offsets = [32, 0], sizes = [16, 2048], strides = [1, 1]} : vector<128x2048xf32> to vector<16x2048xf32>
    %gt3A_10 = arith.cmpf ogt, %slice3A_9, %max3A : vector<16x2048xf32>
    %jit3A_11 = arith.constant 2.000000e+00 : f32
    %broadcast_in_dim3A_12 = vector.broadcast %jit3A_11 : f32 to vector<16x2048xf32>
    %select_n3A_13 = arith.select %gt3A_10, %broadcast_in_dim3A_12, %select_n3A : vector<16x2048xi1>, vector<16x2048xf32>
    %max3A_14 = arith.maximumf %max3A, %slice3A_9 : vector<16x2048xf32>
    %slice3A_15 = vector.extract_strided_slice %dot_general3A_5 {offsets = [48, 0], sizes = [16, 2048], strides = [1, 1]} : vector<128x2048xf32> to vector<16x2048xf32>
    %gt3A_16 = arith.cmpf ogt, %slice3A_15, %max3A_14 : vector<16x2048xf32>
    %jit3A_17 = arith.constant 3.000000e+00 : f32
    %broadcast_in_dim3A_18 = vector.broadcast %jit3A_17 : f32 to vector<16x2048xf32>
    %select_n3A_19 = arith.select %gt3A_16, %broadcast_in_dim3A_18, %select_n3A_13 : vector<16x2048xi1>, vector<16x2048xf32>
    %max3A_20 = arith.maximumf %max3A_14, %slice3A_15 : vector<16x2048xf32>
    %slice3A_21 = vector.extract_strided_slice %dot_general3A_5 {offsets = [64, 0], sizes = [16, 2048], strides = [1, 1]} : vector<128x2048xf32> to vector<16x2048xf32>
    %gt3A_22 = arith.cmpf ogt, %slice3A_21, %max3A_20 : vector<16x2048xf32>
    %jit3A_23 = arith.constant 4.000000e+00 : f32
    %broadcast_in_dim3A_24 = vector.broadcast %jit3A_23 : f32 to vector<16x2048xf32>
    %select_n3A_25 = arith.select %gt3A_22, %broadcast_in_dim3A_24, %select_n3A_19 : vector<16x2048xi1>, vector<16x2048xf32>
    %max3A_26 = arith.maximumf %max3A_20, %slice3A_21 : vector<16x2048xf32>
    %slice3A_27 = vector.extract_strided_slice %dot_general3A_5 {offsets = [80, 0], sizes = [16, 2048], strides = [1, 1]} : vector<128x2048xf32> to vector<16x2048xf32>
    %gt3A_28 = arith.cmpf ogt, %slice3A_27, %max3A_26 : vector<16x2048xf32>
    %jit3A_29 = arith.constant 5.000000e+00 : f32
    %broadcast_in_dim3A_30 = vector.broadcast %jit3A_29 : f32 to vector<16x2048xf32>
    %select_n3A_31 = arith.select %gt3A_28, %broadcast_in_dim3A_30, %select_n3A_25 : vector<16x2048xi1>, vector<16x2048xf32>
    %max3A_32 = arith.maximumf %max3A_26, %slice3A_27 : vector<16x2048xf32>
    %slice3A_33 = vector.extract_strided_slice %dot_general3A_5 {offsets = [96, 0], sizes = [16, 2048], strides = [1, 1]} : vector<128x2048xf32> to vector<16x2048xf32>
    %gt3A_34 = arith.cmpf ogt, %slice3A_33, %max3A_32 : vector<16x2048xf32>
    %jit3A_35 = arith.constant 6.000000e+00 : f32
    %broadcast_in_dim3A_36 = vector.broadcast %jit3A_35 : f32 to vector<16x2048xf32>
    %select_n3A_37 = arith.select %gt3A_34, %broadcast_in_dim3A_36, %select_n3A_31 : vector<16x2048xi1>, vector<16x2048xf32>
    %max3A_38 = arith.maximumf %max3A_32, %slice3A_33 : vector<16x2048xf32>
    %slice3A_39 = vector.extract_strided_slice %dot_general3A_5 {offsets = [112, 0], sizes = [16, 2048], strides = [1, 1]} : vector<128x2048xf32> to vector<16x2048xf32>
    %gt3A_40 = arith.cmpf ogt, %slice3A_39, %max3A_38 : vector<16x2048xf32>
    %jit3A_41 = arith.constant 7.000000e+00 : f32
    %broadcast_in_dim3A_42 = vector.broadcast %jit3A_41 : f32 to vector<16x2048xf32>
    %select_n3A_43 = arith.select %gt3A_40, %broadcast_in_dim3A_42, %select_n3A_37 : vector<16x2048xi1>, vector<16x2048xf32>
    %convert_element_type3A = arith.truncf %select_n3A_43 : vector<16x2048xf32> to vector<16x2048xbf16>
    %get3A_44 = arith.constant 0 : index
    %get3A_45 = arith.constant 0 : index
    %get3A_46 = vector.load %arg3[%get3A_44, %get3A_45] : memref<2048x2048xbf16, #tpu.memory_space<vmem>>, vector<2048x2048xbf16>
    %dot_general3A_47 = arith.constant dense<0.000000e+00> : vector<16x2048xf32>
    %dot_general3A_48 = tpu.matmul %convert_element_type3A, %get3A_46, %dot_general3A_47 {dimension_numbers = #tpu.dot_dimension_numbers<[1], [0], [0], [1], [0, 0, 1, 1], [], []>, transpose_lhs_hint = false} : vector<16x2048xbf16>, vector<2048x2048xbf16>, vector<16x2048xf32> -> vector<16x2048xf32>
    %slice3A_49 = vector.extract_strided_slice %dot_general3A_48 {offsets = [0, 0], sizes = [16, 256], strides = [1, 1]} : vector<16x2048xf32> to vector<16x256xf32>
    %slice3A_50 = vector.extract_strided_slice %dot_general3A_48 {offsets = [0, 256], sizes = [16, 256], strides = [1, 1]} : vector<16x2048xf32> to vector<16x256xf32>
    %slice3A_51 = vector.extract_strided_slice %dot_general3A_48 {offsets = [0, 512], sizes = [16, 256], strides = [1, 1]} : vector<16x2048xf32> to vector<16x256xf32>
    %slice3A_52 = vector.extract_strided_slice %dot_general3A_48 {offsets = [0, 768], sizes = [16, 256], strides = [1, 1]} : vector<16x2048xf32> to vector<16x256xf32>
    %slice3A_53 = vector.extract_strided_slice %dot_general3A_48 {offsets = [0, 1024], sizes = [16, 256], strides = [1, 1]} : vector<16x2048xf32> to vector<16x256xf32>
    %slice3A_54 = vector.extract_strided_slice %dot_general3A_48 {offsets = [0, 1280], sizes = [16, 256], strides = [1, 1]} : vector<16x2048xf32> to vector<16x256xf32>
    %slice3A_55 = vector.extract_strided_slice %dot_general3A_48 {offsets = [0, 1536], sizes = [16, 256], strides = [1, 1]} : vector<16x2048xf32> to vector<16x256xf32>
    %slice3A_56 = vector.extract_strided_slice %dot_general3A_48 {offsets = [0, 1792], sizes = [16, 256], strides = [1, 1]} : vector<16x2048xf32> to vector<16x256xf32>
    %concatenate3A = tpu.concatenate %slice3A_49, %slice3A_50, %slice3A_51, %slice3A_52, %slice3A_53, %slice3A_54, %slice3A_55, %slice3A_56 in 0 : vector<16x256xf32>, vector<16x256xf32>, vector<16x256xf32>, vector<16x256xf32>, vector<16x256xf32>, vector<16x256xf32>, vector<16x256xf32>, vector<16x256xf32> -> vector<128x256xf32>
    %transpose3A = tpu.transpose %concatenate3A, [1, 0] : vector<128x256xf32> -> vector<256x128xf32>
    %convert_element_type3A_57 = arith.fptosi %transpose3A : vector<256x128xf32> to vector<256x128xi32>
    %broadcast_in_dim3A_58 = arith.constant 11640832 : i32
    %broadcast_in_dim3A_59 = vector.broadcast %broadcast_in_dim3A_58 : i32 to vector<256x128xi32>
    %eq3A = arith.constant 1 : i32
    %eq3A_60 = vector.broadcast %eq3A : i32 to vector<256x128xi32>
    %eq3A_61 = arith.cmpi eq, %convert_element_type3A_57, %eq3A_60 : vector<256x128xi32>
    %jit3A_62 = arith.constant 15699246 : i32
    %broadcast_in_dim3A_63 = vector.broadcast %jit3A_62 : i32 to vector<256x128xi32>
    %select_n3A_64 = arith.select %eq3A_61, %broadcast_in_dim3A_63, %broadcast_in_dim3A_59 : vector<256x128xi1>, vector<256x128xi32>
    %eq3A_65 = arith.constant 2 : i32
    %eq3A_66 = vector.broadcast %eq3A_65 : i32 to vector<256x128xi32>
    %eq3A_67 = arith.cmpi eq, %convert_element_type3A_57, %eq3A_66 : vector<256x128xi32>
    %jit3A_68 = arith.constant 11403431 : i32
    %broadcast_in_dim3A_69 = vector.broadcast %jit3A_68 : i32 to vector<256x128xi32>
    %select_n3A_70 = arith.select %eq3A_67, %broadcast_in_dim3A_69, %select_n3A_64 : vector<256x128xi1>, vector<256x128xi32>
    %eq3A_71 = arith.constant 3 : i32
    %eq3A_72 = vector.broadcast %eq3A_71 : i32 to vector<256x128xi32>
    %eq3A_73 = arith.cmpi eq, %convert_element_type3A_57, %eq3A_72 : vector<256x128xi32>
    %jit3A_74 = arith.constant 12533348 : i32
    %broadcast_in_dim3A_75 = vector.broadcast %jit3A_74 : i32 to vector<256x128xi32>
    %select_n3A_76 = arith.select %eq3A_73, %broadcast_in_dim3A_75, %select_n3A_70 : vector<256x128xi1>, vector<256x128xi32>
    %eq3A_77 = arith.constant 4 : i32
    %eq3A_78 = vector.broadcast %eq3A_77 : i32 to vector<256x128xi32>
    %eq3A_79 = arith.cmpi eq, %convert_element_type3A_57, %eq3A_78 : vector<256x128xi32>
    %jit3A_80 = arith.constant 4923071 : i32
    %broadcast_in_dim3A_81 = vector.broadcast %jit3A_80 : i32 to vector<256x128xi32>
    %select_n3A_82 = arith.select %eq3A_79, %broadcast_in_dim3A_81, %select_n3A_76 : vector<256x128xi1>, vector<256x128xi32>
    %eq3A_83 = arith.constant 5 : i32
    %eq3A_84 = vector.broadcast %eq3A_83 : i32 to vector<256x128xi32>
    %eq3A_85 = arith.cmpi eq, %convert_element_type3A_57, %eq3A_84 : vector<256x128xi32>
    %jit3A_86 = arith.constant 3037148 : i32
    %broadcast_in_dim3A_87 = vector.broadcast %jit3A_86 : i32 to vector<256x128xi32>
    %select_n3A_88 = arith.select %eq3A_85, %broadcast_in_dim3A_87, %select_n3A_82 : vector<256x128xi1>, vector<256x128xi32>
    %eq3A_89 = arith.constant 6 : i32
    %eq3A_90 = vector.broadcast %eq3A_89 : i32 to vector<256x128xi32>
    %eq3A_91 = arith.cmpi eq, %convert_element_type3A_57, %eq3A_90 : vector<256x128xi32>
    %jit3A_92 = arith.constant 42496 : i32
    %broadcast_in_dim3A_93 = vector.broadcast %jit3A_92 : i32 to vector<256x128xi32>
    %select_n3A_94 = arith.select %eq3A_91, %broadcast_in_dim3A_93, %select_n3A_88 : vector<256x128xi1>, vector<256x128xi32>
    %eq3A_95 = arith.constant 7 : i32
    %eq3A_96 = vector.broadcast %eq3A_95 : i32 to vector<256x128xi32>
    %eq3A_97 = arith.cmpi eq, %convert_element_type3A_57, %eq3A_96 : vector<256x128xi32>
    %jit3A_98 = arith.constant 12868362 : i32
    %broadcast_in_dim3A_99 = vector.broadcast %jit3A_98 : i32 to vector<256x128xi32>
    %select_n3A_100 = arith.select %eq3A_97, %broadcast_in_dim3A_99, %select_n3A_94 : vector<256x128xi1>, vector<256x128xi32>
    %and3A = arith.constant 255 : i32
    %and3A_101 = vector.broadcast %and3A : i32 to vector<256x128xi32>
    %and3A_102 = arith.andi %select_n3A_100, %and3A_101 : vector<256x128xi32>
    %convert_element_type3A_103 = arith.trunci %and3A_102 : vector<256x128xi32> to vector<256x128xi8>
    %swap3A = arith.constant 0 : index
    %swap3A_104 = arith.constant 0 : index
    %swap3A_105 = vector.load %arg4[%swap3A, %swap3A_104] : memref<256x128xi8, #tpu.memory_space<vmem>>, vector<256x128xi8>
    tpu.vector_store %arg4[%swap3A, %swap3A_104], %convert_element_type3A_103 {strides = array<i32>} : memref<256x128xi8, #tpu.memory_space<vmem>>, vector<256x128xi8>,
    %shift_right_arithmetic3A = arith.constant 8 : i32
    %shift_right_arithmetic3A_106 = vector.broadcast %shift_right_arithmetic3A : i32 to vector<256x128xi32>
    %shift_right_arithmetic3A_107 = arith.shrsi %select_n3A_100, %shift_right_arithmetic3A_106 : vector<256x128xi32>
    %and3A_108 = arith.constant 255 : i32
    %and3A_109 = vector.broadcast %and3A_108 : i32 to vector<256x128xi32>
    %and3A_110 = arith.andi %shift_right_arithmetic3A_107, %and3A_109 : vector<256x128xi32>
    %convert_element_type3A_111 = arith.trunci %and3A_110 : vector<256x128xi32> to vector<256x128xi8>
    %swap3A_112 = arith.constant 0 : index
    %swap3A_113 = arith.constant 0 : index
    %swap3A_114 = vector.load %arg5[%swap3A_112, %swap3A_113] : memref<256x128xi8, #tpu.memory_space<vmem>>, vector<256x128xi8>
    tpu.vector_store %arg5[%swap3A_112, %swap3A_113], %convert_element_type3A_111 {strides = array<i32>} : memref<256x128xi8, #tpu.memory_space<vmem>>, vector<256x128xi8>,
    %shift_right_arithmetic3A_115 = arith.constant 16 : i32
    %shift_right_arithmetic3A_116 = vector.broadcast %shift_right_arithmetic3A_115 : i32 to vector<256x128xi32>
    %shift_right_arithmetic3A_117 = arith.shrsi %select_n3A_100, %shift_right_arithmetic3A_116 : vector<256x128xi32>
    %and3A_118 = arith.constant 255 : i32
    %and3A_119 = vector.broadcast %and3A_118 : i32 to vector<256x128xi32>
    %and3A_120 = arith.andi %shift_right_arithmetic3A_117, %and3A_119 : vector<256x128xi32>
    %convert_element_type3A_121 = arith.trunci %and3A_120 : vector<256x128xi32> to vector<256x128xi8>
    %swap3A_122 = arith.constant 0 : index
    %swap3A_123 = arith.constant 0 : index
    %swap3A_124 = vector.load %arg6[%swap3A_122, %swap3A_123] : memref<256x128xi8, #tpu.memory_space<vmem>>, vector<256x128xi8>
    tpu.vector_store %arg6[%swap3A_122, %swap3A_123], %convert_element_type3A_121 {strides = array<i32>} : memref<256x128xi8, #tpu.memory_space<vmem>>, vector<256x128xi8>,
    return
  }
  func.func @transform_0(%arg0: i32) -> (i32, i32) {
    %c0_i32 = arith.constant 0 : i32
    %c0_i32_0 = arith.constant 0 : i32
    %c0_i32_1 = arith.constant 0 : i32
    return %c0_i32, %c0_i32_0 : i32, i32
  }
  func.func @transform_1(%arg0: i32) -> (i32, i32) {
    %c0_i32 = arith.constant 0 : i32
    %c0_i32_0 = arith.constant 0 : i32
    return %c0_i32, %arg0 : i32, i32
  }
  func.func @transform_2(%arg0: i32) -> (i32, i32) {
    %c0_i32 = arith.constant 0 : i32
    %c0_i32_0 = arith.constant 0 : i32
    %c0_i32_1 = arith.constant 0 : i32
    return %c0_i32, %c0_i32_0 : i32, i32
  }
  func.func @transform_3(%arg0: i32) -> (i32, i32) {
    %c0_i32 = arith.constant 0 : i32
    %c0_i32_0 = arith.constant 0 : i32
    return %arg0, %c0_i32 : i32, i32
  }
  func.func @transform_4(%arg0: i32) -> (i32, i32) {
    %c0_i32 = arith.constant 0 : i32
    %c0_i32_0 = arith.constant 0 : i32
    return %arg0, %c0_i32 : i32, i32
  }
  func.func @transform_5(%arg0: i32) -> (i32, i32) {
    %c0_i32 = arith.constant 0 : i32
    %c0_i32_0 = arith.constant 0 : i32
    return %arg0, %c0_i32 : i32, i32
  }
}

</mosaic_0001>

<sc_bundles>
// kernel: sparse-core-data-format-call.cloned.1.call-start
scs
called_computation_lowered:
.L_overlay_start_0:
0x0: {  	s2 =	sld [smem:$0x3FD9]  }
0x1: {  	s3 =	sld [smem:$0x3FFE];
	_ =	sdelay $0x1  }
0x2: {  	s1 =	srdreg.scid  }
0x3: {  	s0 =	sand.u32 $0x1, s1  }
0x4: {  	s18 =	sshll.u32 s0, $0xA;
	s2 =	sadd.s32 s3, s2  }
0x5: {  	s2 =	sadd.s32 s2, s18  }
0x6: {  	[smem:$0x3FC6] =	sst s2  }
0x7: {  	_ = 	snop  }
0x8: {  	s2 =	sld [smem:$0x3FC9];
	(tm) =	ssettm $0x1  }
0x9: {  	s19 =	sld [smem:$0x3FFB];
	_ =	sdelay $0x3  }
0xa: {  	_ =	strace s19  }
0xb: {  	s3 =	sld [smem:$0x3FFC];
	_ =	sdelay $0x3  }
0xc: {  	_ =	strace s3  }
0xd: {  	s3 =	sld [smem:$0x3FFD];
	_ =	sdelay $0x3  }
0xe: {  	_ =	strace s3  }
0xf: {  	_ =	strace $0x8FFFFFFF  }
0x10: {  	s20 =	sld [smem:$0x3FDB];
	_ =	sdelay $0x1  }
0x11: {  	s4 =	simm.s32 $_scs_section_size  }
0x12: {  	s5 =	simm.s32 $_size__tile_overlayer_lowered;
	s6 =	simm.s32 $_tile_overlayer_lowered  }
0x13: {  	s23 =	simm.s32 $0x1BFF;
	s22 =	sshll.u32 s6, $0x1;
	s3 =	sadd.s32 s4, s20  }
0x14: {  	s7 =	simm.s32 $0x0;
	s21 =	sshll.u32 s5, $0x1;
	s5 =	sadd.s32 s22, s3  }
0x15: {  	[timem:s7], [sflag:s23] =	dma.local [hbm:s5], s21  }
0x16: {  	_ =	swait.ge [sflag:s23], s21  }
0x17: {  	s4 =	ssub.s32 $0x0, s21;
	[sflag:s23] =	ssyncset.done $0x0  }
0x18: {  	[sflag:s23] =	ssyncadd.s32 s4;
	_ =	sdelay $0x1  }
0x19: {  	s24 =	simm.s32 $0x1B8B  }
0x1a: {  	_ =	swait.ge [sflag:s24], $0x1  }
0x1b: {  	[sflag:s24] =	ssyncset.done $0x0  }
0x1c: {  	s26 =	simm.s32 $0x1B8E;
	s25 =	sld [smem:$0x3FFE];
	[sflag:s24] =	ssyncadd.s32 $0xFFFFFFFF  }
0x1d: {  	s27 =	simm.s32 $execute0_lowered;
	[smem:$0x3FD2] =	sst s26  }
0x1e: {  	s5 =	sshll.u32 s27, $0x1;
	_ =	strace $0x80000046;
	[dreg:$0x1] =	wrdreg $0xFFFFFFFF  }
0x1f: {  	s28 =	simm.s32 $_size_execute0_lowered;
	s3 =	sadd.s32 s3, s5;
	[dreg:$0x0] =	wrdreg $0x0  }
0x20: {  	s5 =	sshll.u32 s28, $0x1;
	[dreg:$0x2] =	wrdreg s3  }
0x21: {  	[dreg:$0x3] =	wrdreg s5  }
0x22: {  	[dreg:$0x4] =	wrdreg $0xC0  }
0x23: {  	_ =	task [dreg:s7], $0x5FFFF  }
0x24: {  	[dreg:$0x1] =	wrdreg $0xFFFFFFFF  }
0x25: {  	[dreg:$0x0] =	wrdreg $0x60  }
0x26: {  	[dreg:$0x2] =	wrdreg s2  }
0x27: {  	[dreg:$0x3] =	wrdreg s25  }
0x28: {  	[dreg:$0x4] =	wrdreg $0x9  }
0x29: {  	_ =	task.clear_ibuf [dreg:s7], $0x5FFFF;
	_ =	strace $0x90000046  }
0x2a: {  	s29 =	simm.s32 $0x9;
	_ =	strace $0x80000048  }
0x2b: {  	_ =	swait.ge [sflag:s29], $0x1  }
0x2c: {  	[sflag:s29] =	ssyncadd.s32 $0xFFFFFFFF  }
0x2d: {  	_ =	strace $0x90000048  }
0x2e: {  	_ =	sfence  }
0x2f: {  	s30 =	sld [smem:$0x0];
	_ =	sdelay $0x2  }
0x30: {  	s31 =	sshll.u32 s1, $0xD;
	s1 =	sshrl.u32 s1, $0x2  }
0x31: {  	s3 =	sand.u32 $0x4000, s31;
	s1 =	sadd.s32 s1, s30  }
0x32: {  	s0 =	sor.u32 s3, s0;
	s1 =	sshll.u32 s1, $0x11  }
0x33: {  	s0 =	sor.u32 s1, s0  }
0x34: {  	s0 =	sadd.s32 $0x8F2B, s0  }
0x35: {  	[sflag:s0] =	ssyncadd.remote.s32 $0x1  }
0x36: {  	_ =	sfence.sel $0xFFFF  }
0x37: {  	[dreg:$0x0] =	wrdreg $0xFFFFFFFF;
	(pc) =	sbr.abs _section_cstart, $3  }
0x38: {  	[dreg:$0x1] =	wrdreg $0xFFFFFFFF  }
0x39: {  	_ =	task.clear_ibuf [dreg:s7], $0x2FFFF;
	_ =	strace $0x9FFFFFFF  }
0x3a: {  	(tm) =	ssettm $0x7FFFFFFF  }
0x3b: {  	_ =	shalt  }
tec
execute0_lowered:
.L_overlay_start_1:
0x0: {  	(tag) =	ssettag $0x1  }
0x1: {  	s2 =	rddreg [dreg:$0x0]  }
0x2: {  	s1 =	rddreg [dreg:$0x1]  }
0x3: {  	s0 =	rddreg [dreg:$0x2];
	s4 =	srdreg.scid  }
0x4: {  	_ =	strace $0x80000047;
	s7 =	simm.s32 $0x2;
	s15 =	simm.s32 $0x0  }
0x5: {  	p0 =	por $0x0, $0x0;
	s13 =	simm.s32 $0x0;
	s16 =	simm.s32 $0x0  }
0x6: {  	s14 =	simm.s32 $0x0;
	s9 =	simm.s32 $0x0;
	s10 =	simm.s32 $0x0  }
.Ltmp0:
0x7: {  	s3 =	sadd.s32 $0x800, s1;
	s4 =	sshll.u32 s4, $0x4;
	(pc) =	sbr.rel .LBB1_1-.Ltmp0, $4  }
0x8: {  	s1 =	stileid.u32;
	s5 =	sand.u32 $0x10, s4;
	s4 =	simm.s32 $0x1  }
0x9: {  	s8 =	simm.s32 $0x0;
	s6 =	sor.u32 s1, s5;
	[sflag:s4] =	ssyncpa.u1 $0x0  }
0xa: {  	s5 =	sand.u32 $0x3, s1;
	s6 =	sshrl.u32 s6, $0x2;
	[sflag:s7] =	ssyncpa.u1 $0x0  }
0xb: {  	s7 =	simm.s32 $0xC00;
	s12 =	smov.u32 s5;
	s11 =	smov.u32 s6  }
.LBB1_5:
0xc: {  	s17 =	sadd.s32 $0x80, s9  }
0xd: {  	s13 =	sadd.s32 $0x80, s10;
	s18 =	smov.u32 s10;
	p2 =	sgt.s32 s17, $0x17F  }
0xe: {  	s18 =	smov.u32 @p2 s13  }
0xf: {  	s19 =	smov.u32 s11;
	s13 =	sadd.s32 $0x8, s11;
	p3 =	sgt.s32 s18, $0x17F  }
0x10: {  	s19 =	smov.u32 @p3 s13  }
0x11: {  	s20 =	smov.u32 s12;
	s13 =	sadd.s32 $0x4, s12;
	p4 =	sgt.s32 s19, $0x7  }
0x12: {  	p1 =	slt.u32 s8, $0x2;
	s20 =	smov.u32 @p4 s13  }
0x13: {  	s8 =	sadd.s32 $0x1, s8;
	s17 =	simm.s32 @p2 $0x0;
	p2 =	sgt.s32 s20, $0x2F  }
0x14: {  	s15 =	smov.u32 s9;
	s20 =	smov.u32 @p2 s5;
	p2 =	sne.s32 s8, $0x6E  }
.Ltmp1:
0x15: {  	s16 =	smov.u32 s11;
	s21 =	simm.s32 @!p1 $0x2;
	(pc) =	sbr.rel @!p2 .LBB1_6-.Ltmp1, $4  }
0x16: {  	s14 =	smov.u32 s12;
	p0 =	por !p0, !p0;
	_ =	swait.ge @!p1 [sflag:s21], $0x4000  }
0x17: {  	[sflag:s21] =	ssyncset.done @!p1 $0x0;
	s9 =	smov.u32 s17;
	s18 =	simm.s32 @p3 $0x0  }
0x18: {  	[sflag:s21] =	ssyncadd.s32 @!p1 $0xFFFFC000;
	s19 =	smov.u32 @p4 s6;
	s13 =	smov.u32 s10  }
0x19: {  	s10 =	smov.u32 s18;
	s11 =	smov.u32 s19;
	s12 =	smov.u32 s20  }
.LBB1_1:
0x1a: {  	p1 =	sgt.u32 s8, $0x6B  }
0x1b: {  	s17 =	sshrl.u32 @!p1 s10, $0x3  }
0x1c: {  	s18 =	sshll.u32 @!p1 s9, $0x3;
	s17 =	smul.u32 @!p1 $0xC00, s17  }
0x1d: {  	s19 =	sshll.u32 @!p1 s10, $0x7;
	s18 =	sand.u32 @!p1 $0xFFFFFC00, s18  }
0x1e: {  	s17 =	sadd.s32 @!p1 s17, s18;
	s18 =	sand.u32 @!p1 $0x380, s19  }
0x1f: {  	s19 =	sand.u32 @!p1 $0x7F, s9;
	s17 =	sor.u32 @!p1 s18, s17  }
0x20: {  	s18 =	sor.u32 @!p1 s19, s17;
	s17 =	smulhi.u32 @!p1 $0xAAAAAAAB, s17;
	_ =	sdelay $0x1  }
0x21: {  	s19 =	smulhi.u32 @!p1 $0xAAAAAAAB, s18;
	s17 =	sshrl.u32 @!p1 s17, $0x8  }
0x22: {  	s20 =	smulhi.u32 @!p1 $0xAAAAAB, s17  }
0x23: {  	s22 =	smul.u32 @!p1 $0x24000, s12  }
0x24: {  	s19 =	sshrl.u32 @!p1 s19, $0x8;
	s20 =	smul.u32 @!p1 $0x180, s20  }
0x25: {  	s21 =	sxor.u32 @!p1 $0xFFFFFFFF, s8;
	s19 =	smul.u32 @!p1 $0x180, s19  }
0x26: {  	s21 =	sshll.u32 @!p1 s21, $0xE;
	s17 =	ssub.s32 @!p1 s17, s20;
	s20 =	smul.u32 @!p1 $0x4800, s11  }
0x27: {  	s18 =	ssub.s32 @!p1 s18, s19;
	s19 =	sadd.s32 @!p1 s2, s22;
	s17 =	smul.u32 @!p1 $0x30, s17  }
0x28: {  	s21 =	sand.u32 @!p1 $0x4000, s21;
	s19 =	sadd.s32 @!p1 s20, s19;
	s20 =	sand.u32 @!p1 $0x7, s18  }
0x29: {  	s18 =	sshrl.u32 @!p1 s18, $0x3;
	s17 =	sadd.s32 @!p1 s17, s19;
	s19 =	sshll.u32 @!p1 s20, $0x12  }
0x2a: {  	s17 =	sadd.s32 @!p1 s18, s17;
	s18 =	sor.u32 @!p1 $0x400, s19;
	s19 =	simm.s32 @!p1 $0xC00  }
0x2b: {  	[tilespmem:s21], [sflag:$0x1] =	stream.strided.gather @!p1 [hbm4b:s17+s18], $0x4000, s19, s18, $0x38;
	[tilespmem:$0x10000] =	vst v63  }
0x2c: {  	p1 =	seq.s32 s8, $0x0  }
0x2d: {  	p2 =	seq.s32 @!p1 s8, $0x6D  }
0x2e: {  	p1 =	por p1, p2  }
.Ltmp2:
0x2f: {  	_ = 	snop;
	(pc) =	sbr.rel @p1 .LBB1_5-.Ltmp2, $1  }
0x30: {  	_ =	sdelay $0x3  }
0x31: {  	s17 =	simm.s32 $0x1  }
0x32: {  	s17 =	simm.s32 @!p0 $0x0  }
0x33: {  	s17 =	sshll.u32 s17, $0xE  }
0x34: {  	s18 =	sor.u32 $0x40, s17  }
0x35: {  	v1 =	vmov s18;
	_ =	sdelay $0x1  }
0x36: {  	_ =	swait.ge [sflag:s4], $0x4000  }
0x37: {  	[sflag:s4] =	ssyncset.done $0x0  }
0x38: {  	s19 =	simm.s32 $0x0;
	[sflag:s4] =	ssyncadd.s32 $0xFFFFC000  }
0x39: {  	s17 =	sor.u32 $0x8070, s17;
	v6 =	vld.idx.msk [tilespmem:v1+s19+$0x30 ss:$0x1], $0xffff  }
0x3a: {  	v0 =	vmov s17;
	v8 =	vld.idx.msk [tilespmem:v1+s19+$0xFFFFFFC0 ss:$0x1], $0xffff  }
0x3b: {  	v7 =	vld.idx.msk [tilespmem:v1+s19+$0xFFFFFFD0 ss:$0x1], $0xffff  }
0x3c: {  	v5 =	vld.idx.msk [tilespmem:v1+s19+$0xFFFFFFE0 ss:$0x1], $0xffff  }
0x3d: {  	v4 =	vld.idx.msk [tilespmem:v1+s19+$0xFFFFFFF0 ss:$0x1], $0xffff  }
0x3e: {  	s31 =	sshll.u32 s8, $0xE;
	v2 =	vld.idx.msk [tilespmem:v1+s19+$0x0 ss:$0x1], $0xffff  }
0x3f: {  	s17 =	sand.u32 $0x4000, s31;
	v3 =	vld.idx.msk [tilespmem:v1+s19+$0x10 ss:$0x1], $0xffff;
	[tilespmem:v0+s19+$0x0 ss:$0x1] =	vst.idx.msk $0xffff, v6  }
0x40: {  	s20 =	simm.s32 $0x400;
	s18 =	simm.s32 $0x80;
	s17 =	sor.u32 $0x8000, s17;
	[tilespmem:v0+s19+$0xFFFFFF90 ss:$0x1] =	vst.idx.msk $0xffff, v8;
	v6 =	vld.idx.msk [tilespmem:v1+s19+$0x20 ss:$0x1], $0xffff  }
.LBB1_3:
0x41: {  	p1 =	sne.s32 s20, $0xFE00;
	v8 =	vld.idx.msk [tilespmem:v1+s18+$0x30 ss:$0x1], $0xffff;
	[tilespmem:v0+s19+$0xFFFFFFA0 ss:$0x1] =	vst.idx.msk $0xffff, v7  }
0x42: {  	v9 =	vld.idx.msk [tilespmem:v1+s18+$0xFFFFFFC0 ss:$0x1], $0xffff;
	[tilespmem:v0+s19+$0xFFFFFFB0 ss:$0x1] =	vst.idx.msk $0xffff, v5  }
0x43: {  	v7 =	vld.idx.msk [tilespmem:v1+s18+$0xFFFFFFD0 ss:$0x1], $0xffff;
	[tilespmem:v0+s19+$0xFFFFFFC0 ss:$0x1] =	vst.idx.msk $0xffff, v4  }
.Ltmp3:
0x44: {  	v5 =	vld.idx.msk [tilespmem:v1+s18+$0xFFFFFFE0 ss:$0x1], $0xffff;
	[tilespmem:v0+s19+$0xFFFFFFD0 ss:$0x1] =	vst.idx.msk $0xffff, v2;
	(pc) =	sbr.rel @p1 .LBB1_3-.Ltmp3, $4  }
0x45: {  	v4 =	vld.idx.msk [tilespmem:v1+s18+$0xFFFFFFF0 ss:$0x1], $0xffff;
	[tilespmem:v0+s19+$0xFFFFFFE0 ss:$0x1] =	vst.idx.msk $0xffff, v3  }
0x46: {  	v2 =	vld.idx.msk [tilespmem:v1+s18+$0x0 ss:$0x1], $0xffff;
	[tilespmem:v0+s19+$0xFFFFFFF0 ss:$0x1] =	vst.idx.msk $0xffff, v6;
	s19 =	smov.u32 s18  }
0x47: {  	v3 =	vld.idx.msk [tilespmem:v1+s19+$0x10 ss:$0x1], $0xffff;
	[tilespmem:v0+s19+$0x0 ss:$0x1] =	vst.idx.msk $0xffff, v8  }
0x48: {  	s18 =	sshra.s32 s20, $0x2;
	s20 =	sadd.s32 $0x200, s20;
	[tilespmem:v0+s19+$0xFFFFFF90 ss:$0x1] =	vst.idx.msk $0xffff, v9;
	v6 =	vld.idx.msk [tilespmem:v1+s19+$0x20 ss:$0x1], $0xffff  }
0x49: {  	_ =	sdelay $0x2  }
0x4a: {  	s20 =	sshrl.u32 s16, $0x3  }
0x4b: {  	s21 =	sshll.u32 s15, $0x3;
	[tilespmem:v0+s19+$0xFFFFFFA0 ss:$0x1] =	vst.idx.msk $0xffff, v7;
	s20 =	smul.u32 $0xC00, s20  }
0x4c: {  	s27 =	sshll.u32 s16, $0x7;
	v56 =	vld.idx.msk [tilespmem:v1+s18+$0x30 ss:$0x1], $0xffff;
	[tilespmem:v0+s19+$0xFFFFFFB0 ss:$0x1] =	vst.idx.msk $0xffff, v5;
	s21 =	sand.u32 $0xFFFFFC00, s21  }
0x4d: {  	v57 =	vld.idx.msk [tilespmem:v1+s18+$0xFFFFFFC0 ss:$0x1], $0xffff;
	s16 =	sand.u32 $0x380, s27;
	[tilespmem:v0+s19+$0xFFFFFFC0 ss:$0x1] =	vst.idx.msk $0xffff, v4;
	s20 =	sadd.s32 s20, s21  }
0x4e: {  	s28 =	sand.u32 $0x7F, s15;
	v58 =	vld.idx.msk [tilespmem:v1+s18+$0xFFFFFFD0 ss:$0x1], $0xffff;
	[tilespmem:v0+s19+$0xFFFFFFD0 ss:$0x1] =	vst.idx.msk $0xffff, v2;
	s16 =	sor.u32 s16, s20  }
0x4f: {  	v59 =	vld.idx.msk [tilespmem:v1+s18+$0xFFFFFFE0 ss:$0x1], $0xffff;
	[tilespmem:v0+s19+$0xFFFFFFE0 ss:$0x1] =	vst.idx.msk $0xffff, v3;
	s15 =	sor.u32 s28, s16;
	s16 =	smulhi.u32 $0xAAAAAAAB, s16  }
0x50: {  	v60 =	vld.idx.msk [tilespmem:v1+s18+$0xFFFFFFF0 ss:$0x1], $0xffff;
	[tilespmem:v0+s19+$0xFFFFFFF0 ss:$0x1] =	vst.idx.msk $0xffff, v6;
	s29 =	smulhi.u32 $0xAAAAAAAB, s15  }
0x51: {  	v61 =	vld.idx.msk [tilespmem:v1+s18+$0x0 ss:$0x1], $0xffff;
	s14 =	smul.u32 $0x24000, s14;
	[tilespmem:v0+s18+$0x0 ss:$0x1] =	vst.idx.msk $0xffff, v56  }
0x52: {  	v62 =	vld.idx.msk [tilespmem:v1+s18+$0x10 ss:$0x1], $0xffff;
	s13 =	smul.u32 $0x180, s13;
	[tilespmem:v0+s18+$0xFFFFFF90 ss:$0x1] =	vst.idx.msk $0xffff, v57;
	s16 =	sshrl.u32 s16, $0x8;
	s30 =	sshrl.u32 s29, $0x8  }
0x53: {  	v63 =	vld.idx.msk [tilespmem:v1+s18+$0x20 ss:$0x1], $0xffff;
	[tilespmem:v0+s18+$0xFFFFFFA0 ss:$0x1] =	vst.idx.msk $0xffff, v58;
	s16 =	sand.u32 $0x7, s16;
	s19 =	smul.u32 $0x180, s30  }
0x54: {  	[tilespmem:v0+s18+$0xFFFFFFB0 ss:$0x1] =	vst.idx.msk $0xffff, v59;
	s16 =	smul.u32 $0x30, s16  }
.Ltmp4:
0x55: {  	s14 =	sadd.s32 s3, s14;
	[tilespmem:v0+s18+$0xFFFFFFC0 ss:$0x1] =	vst.idx.msk $0xffff, v60;
	s15 =	ssub.s32 s15, s19;
	(pc) =	sbr.rel .LBB1_5-.Ltmp4, $4  }
0x56: {  	s13 =	sadd.s32 s13, s14;
	[tilespmem:v0+s18+$0xFFFFFFD0 ss:$0x1] =	vst.idx.msk $0xffff, v61;
	s31 =	sand.u32 $0x7, s15  }
0x57: {  	[tilespmem:v0+s18+$0xFFFFFFE0 ss:$0x1] =	vst.idx.msk $0xffff, v62;
	s13 =	sadd.s32 s16, s13;
	s15 =	sshrl.u32 s15, $0x3;
	s14 =	sshll.u32 s31, $0x12  }
0x58: {  	[tilespmem:v0+s18+$0xFFFFFFF0 ss:$0x1] =	vst.idx.msk $0xffff, v63;
	s13 =	sadd.s32 s15, s13;
	s14 =	sor.u32 $0x80, s14  }
0x59: {  	[hbm4b:s13+s14] =	stream.strided.scatter [tilespmem:s17], [sflag:$0x2], $0x4000, s7, s14, $0x38;
	[tilespmem:$0x10000] =	vst v63  }
.LBB1_6:
0x5a: {  	_ =	sfence.sel $0x180000  }
0x5b: {  	s2 =	simm.s32 $0x1;
	[bflag:$0x0] =	sbarrier.arrive $0xFFFF  }
0x5c: {  	s31 =	simm.s32 $0x2;
	[sflag:s2] =	ssyncpa.u1 $0x1  }
0x5d: {  	[sflag:s31] =	ssyncpa.u1 $0x1  }
0x5e: {  	p0 =	sne.s32 s1, $0x0;
	_ =	strace $0x90000047  }
0x5f: {  	s0 =	sadd.s32 @!p0 $0x100000, s0;
	[bflag:$0x2] =	sbarrier.arrive $0xFFFF  }
0x60: {  	[sflag:s0] =	ssyncadd.tile.s32 @!p0 $0x1;
	_ =	shalt  }
.Lfunc_end1:
_tile_overlayer_lowered:
.L_overlay_start_2:
0x61: {  	(tag) =	ssettag $0x2  }
0x62: {  	s0 =	rddreg [dreg:$0x0];
	s2 =	stileid.u32  }
0x63: {  	s1 =	rddreg [dreg:$0x1];
	p0 =	sne.s32 s2, $0x0  }
0x64: {  	s3 =	rddreg [dreg:$0x2];
	[bflag:$0x3] =	sbarrier.arrive $0xFFFF;
	s2 =	simm.s32 @!p0 $0x1C01  }
0x65: {  	[timem:s3], [sflag:s2] =	dma.local @!p0 [hbm:s0], s1  }
0x66: {  	s0 =	simm.s32 @!p0 $0x1  }
0x67: {  	_ =	swait.ge @!p0 [sflag:s0], s1  }
0x68: {  	s1 =	ssub.s32 @!p0 $0x0, s1;
	[sflag:s0] =	ssyncset.done @!p0 $0x0  }
0x69: {  	[sflag:s0] =	ssyncadd.s32 @!p0 s1  }
0x6a: {  	[bflag:$0x3] =	sbarrier.arrive $0xFFFF  }
0x6b: {  	_ =	shalt  }

</sc_bundles>
